<compile_context>
chip_gen: v7x
topology: tpu7x:2x2x1
jax: 0.10.2.dev20260603
libtpu: 0.0.44.dev20260713+nightly
codegen_flags: <defaults>
</compile_context>

<pallas_src>
import jax
import jax.numpy as jnp
from jax.experimental import pallas as pl
from jax.experimental.pallas import tpu as pltpu

_EMB = 64
_NEMB = 100
_BLK = 2048


def _body(x_ref, w2x_ref, wt1_ref, wt2_ref, wt3_ref, c_ref, w2_ref,
          idx_ref, q_ref):
    xb = x_ref[...]
    xw2 = jax.lax.dot_general(
        xb, w2x_ref[...], dimension_numbers=(((1,), (0,)), ((), ())),
        preferred_element_type=jnp.float32)
    neg = (xw2 - c_ref[...]) - w2_ref[...]
    m = jnp.max(neg, axis=1, keepdims=True)
    colsf = jax.lax.broadcasted_iota(
        jnp.int32, neg.shape, 1).astype(jnp.float32)
    idxf = jnp.min(jnp.where(neg == m, colsf, jnp.float32(_NEMB)),
                   axis=1, keepdims=True)
    idx_ref[...] = idxf.astype(jnp.int32)
    onehot = (colsf == idxf).astype(jnp.bfloat16)
    dn = (((1,), (0,)), ((), ()))
    q_ref[...] = (
        (jax.lax.dot_general(onehot, wt1_ref[...], dn,
                             preferred_element_type=jnp.float32)
         + jax.lax.dot_general(onehot, wt2_ref[...], dn,
                               preferred_element_type=jnp.float32))
        + jax.lax.dot_general(onehot, wt3_ref[...], dn,
                              preferred_element_type=jnp.float32))


def kernel(x, w):
    flat = x.reshape(-1, _EMB)
    tokens = flat.shape[0]
    nb = tokens // _BLK
    w2x = 2.0 * w
    wt = w.T
    def _tr(v):
        b = jax.lax.bitcast_convert_type(v, jnp.uint32)
        return jax.lax.bitcast_convert_type(b & jnp.uint32(0xFFFF0000),
                                            jnp.float32)
    p1 = _tr(wt)
    r1 = wt - p1
    p2 = _tr(r1)
    p3 = r1 - p2
    wt1 = p1.astype(jnp.bfloat16)
    wt2 = p2.astype(jnp.bfloat16)
    wt3 = p3.astype(jnp.bfloat16)
    c = jnp.sum(flat ** 2, axis=1, keepdims=True)
    w2 = jnp.sum(w ** 2, axis=0, keepdims=True)
    idx, q = pl.pallas_call(
        _body,
        grid=(nb,),
        in_specs=[
            pl.BlockSpec((_BLK, _EMB), lambda i: (i, 0)),
            pl.BlockSpec((_EMB, _NEMB), lambda i: (0, 0)),
            pl.BlockSpec((_NEMB, _EMB), lambda i: (0, 0)),
            pl.BlockSpec((_NEMB, _EMB), lambda i: (0, 0)),
            pl.BlockSpec((_NEMB, _EMB), lambda i: (0, 0)),
            pl.BlockSpec((_BLK, 1), lambda i: (i, 0)),
            pl.BlockSpec((1, _NEMB), lambda i: (0, 0)),
        ],
        out_specs=[
            pl.BlockSpec((_BLK, 1), lambda i: (i, 0)),
            pl.BlockSpec((_BLK, _EMB), lambda i: (i, 0)),
        ],
        out_shape=[
            jax.ShapeDtypeStruct((tokens, 1), jnp.int32),
            jax.ShapeDtypeStruct((tokens, _EMB), jnp.float32),
        ],
        compiler_params=pltpu.CompilerParams(
            dimension_semantics=("parallel",)),
    )(flat, w2x, wt1, wt2, wt3, c, w2)
    return q.reshape(x.shape), idx.reshape(x.shape[:-1])

# --- scband reference (transcript-rebuilt; emitter-appended) ---
"""Pipeline reference for scband-vqvaelayer-44547400794157 (READ-ONLY COPY).

The authoritative reference and input builder live on the scoring server;
editing this copy changes nothing except your own understanding.
"""

import jax, jax.numpy as jnp
import numpy as np

EMBEDDING_DIM = 64
NUM_EMBEDDINGS = 100


def setup_inputs(seed: int = 0) -> dict:
    key = jax.random.key(seed)
    k1, k2 = jax.random.split(key)
    x = jax.random.normal(k1, (128, 32, 32, EMBEDDING_DIM), dtype=jnp.float32)
    # keras 'uniform' initializer default: U(-0.05, 0.05), shape (embedding_dim, num_embeddings)
    w = jax.random.uniform(k2, (EMBEDDING_DIM, NUM_EMBEDDINGS), dtype=jnp.float32, minval=-0.05, maxval=0.05)
    return {"x": x, "w": w}


def reference(x, w):
    # get_indices: squared-L2 distances between flattened inputs and codebook columns
    flat_inputs = x.reshape(-1, EMBEDDING_DIM)
    distances = (
        jnp.sum(flat_inputs ** 2, axis=1, keepdims=True)
        - 2.0 * (flat_inputs @ w)
        + jnp.sum(w ** 2, axis=0, keepdims=True)
    )
    encoding_indices = jnp.argmax(-distances, axis=1)
    encoding_indices = encoding_indices.reshape(x.shape[:-1])
    # quantize: embedding lookup on transposed codebook (num_embeddings, embedding_dim)
    quantized = jnp.take(w.T, encoding_indices, axis=0)
    return (quantized, encoding_indices)

if __name__ == "__main__":
    import jax
    _d = setup_inputs()
    print(jax.jit(kernel)(*tuple(_d.values())))

</pallas_src>

<mosaic_0001>
module attributes {stable_mosaic.version = 14 : i64} {
  func.func @_body(%arg0: i32, %arg1: memref<2048x64xf32, #tpu.memory_space<vmem>>, %arg2: memref<64x100xf32, #tpu.memory_space<vmem>>, %arg3: memref<100x64xbf16, #tpu.memory_space<vmem>>, %arg4: memref<100x64xbf16, #tpu.memory_space<vmem>>, %arg5: memref<100x64xbf16, #tpu.memory_space<vmem>>, %arg6: memref<2048x1xf32, #tpu.memory_space<vmem>>, %arg7: memref<1x100xf32, #tpu.memory_space<vmem>>, %arg8: memref<2048x1xi32, #tpu.memory_space<vmem>>, %arg9: memref<2048x64xf32, #tpu.memory_space<vmem>>) attributes {dimension_semantics = [#tpu.dimension_semantics<parallel>], iteration_bounds = array<i64: 64>, scalar_prefetch = 0 : i64, scratch_operands = 0 : i64, tpu.core_type = #tpu.core_type<tc>, window_params = [{transform_indices = @transform_0, window_bounds = array<i64: 2048, 64>}, {pipeline_mode = #tpu.pipeline_mode<synchronous>, transform_indices = @transform_1, window_bounds = array<i64: 64, 100>}, {pipeline_mode = #tpu.pipeline_mode<synchronous>, transform_indices = @transform_2, window_bounds = array<i64: 100, 64>}, {pipeline_mode = #tpu.pipeline_mode<synchronous>, transform_indices = @transform_3, window_bounds = array<i64: 100, 64>}, {pipeline_mode = #tpu.pipeline_mode<synchronous>, transform_indices = @transform_4, window_bounds = array<i64: 100, 64>}, {transform_indices = @transform_5, window_bounds = array<i64: 2048, 1>}, {pipeline_mode = #tpu.pipeline_mode<synchronous>, transform_indices = @transform_6, window_bounds = array<i64: 1, 100>}, {transform_indices = @transform_7, window_bounds = array<i64: 2048, 1>}, {transform_indices = @transform_8, window_bounds = array<i64: 2048, 64>}]} {
    %get3A = arith.constant 0 : index
    %get3A_0 = arith.constant 0 : index
    %get3A_1 = vector.load %arg1[%get3A, %get3A_0] : memref<2048x64xf32, #tpu.memory_space<vmem>>, vector<2048x64xf32>
    %get3A_2 = arith.constant 0 : index
    %get3A_3 = arith.constant 0 : index
    %get3A_4 = vector.load %arg2[%get3A_2, %get3A_3] : memref<64x100xf32, #tpu.memory_space<vmem>>, vector<64x100xf32>
    %dot_general3A = arith.constant dense<0.000000e+00> : vector<2048x100xf32>
    %dot_general3A_5 = tpu.matmul %get3A_1, %get3A_4, %dot_general3A {dimension_numbers = #tpu.dot_dimension_numbers<[1], [0], [0], [1], [0, 0, 1, 1], [], []>, transpose_lhs_hint = false} : vector<2048x64xf32>, vector<64x100xf32>, vector<2048x100xf32> -> vector<2048x100xf32>
    %get3A_6 = arith.constant 0 : index
    %get3A_7 = arith.constant 0 : index
    %get3A_8 = vector.load %arg6[%get3A_6, %get3A_7] : memref<2048x1xf32, #tpu.memory_space<vmem>>, vector<2048x1xf32>
    %sub3A = vector.broadcast %get3A_8 : vector<2048x1xf32> to vector<2048x100xf32>
    %sub3A_9 = arith.subf %dot_general3A_5, %sub3A : vector<2048x100xf32>
    %get3A_10 = arith.constant 0 : index
    %get3A_11 = arith.constant 0 : index
    %get3A_12 = vector.load %arg7[%get3A_10, %get3A_11] : memref<1x100xf32, #tpu.memory_space<vmem>>, vector<1x100xf32>
    %sub3A_13 = vector.broadcast %get3A_12 : vector<1x100xf32> to vector<2048x100xf32>
    %sub3A_14 = arith.subf %sub3A_9, %sub3A_13 : vector<2048x100xf32>
    %reduce_max3A = arith.constant dense<0xFF800000> : vector<2048xf32>
    %reduce_max3A_15 = vector.multi_reduction <maximumf>, %sub3A_14, %reduce_max3A [1] : vector<2048x100xf32> to vector<2048xf32>
    %broadcast_in_dim3A = vector.shape_cast %reduce_max3A_15 : vector<2048xf32> to vector<2048x1xf32>
    %iota3A = tpu.iota {dimensions = array<i32: 1>} : vector<2048x100xi32>
    %convert_element_type3A = arith.sitofp %iota3A : vector<2048x100xi32> to vector<2048x100xf32>
    %eq3A = vector.broadcast %broadcast_in_dim3A : vector<2048x1xf32> to vector<2048x100xf32>
    %eq3A_16 = arith.cmpf oeq, %sub3A_14, %eq3A : vector<2048x100xf32>
    %jit3A = arith.constant 1.000000e+02 : f32
    %broadcast_in_dim3A_17 = vector.broadcast %jit3A : f32 to vector<2048x100xf32>
    %select_n3A = arith.select %eq3A_16, %convert_element_type3A, %broadcast_in_dim3A_17 : vector<2048x100xi1>, vector<2048x100xf32>
    %reduce_min3A = arith.constant dense<0x7F800000> : vector<2048xf32>
    %reduce_min3A_18 = vector.multi_reduction <minimumf>, %select_n3A, %reduce_min3A [1] : vector<2048x100xf32> to vector<2048xf32>
    %broadcast_in_dim3A_19 = vector.shape_cast %reduce_min3A_18 : vector<2048xf32> to vector<2048x1xf32>
    %convert_element_type3A_20 = arith.fptosi %broadcast_in_dim3A_19 : vector<2048x1xf32> to vector<2048x1xi32>
    %swap3A = arith.constant 0 : index
    %swap3A_21 = arith.constant 0 : index
    %swap3A_22 = vector.load %arg8[%swap3A, %swap3A_21] : memref<2048x1xi32, #tpu.memory_space<vmem>>, vector<2048x1xi32>
    tpu.vector_store %arg8[%swap3A, %swap3A_21], %convert_element_type3A_20 {strides = array<i32>} : memref<2048x1xi32, #tpu.memory_space<vmem>>, vector<2048x1xi32>,
    %eq3A_23 = vector.broadcast %broadcast_in_dim3A_19 : vector<2048x1xf32> to vector<2048x100xf32>
    %eq3A_24 = arith.cmpf oeq, %convert_element_type3A, %eq3A_23 : vector<2048x100xf32>
    %convert_element_type3A_25 = arith.extui %eq3A_24 : vector<2048x100xi1> to vector<2048x100xi32>
    %convert_element_type3A_26 = arith.sitofp %convert_element_type3A_25 : vector<2048x100xi32> to vector<2048x100xf32>
    %convert_element_type3A_27 = arith.truncf %convert_element_type3A_26 : vector<2048x100xf32> to vector<2048x100xbf16>
    %get3A_28 = arith.constant 0 : index
    %get3A_29 = arith.constant 0 : index
    %get3A_30 = vector.load %arg3[%get3A_28, %get3A_29] : memref<100x64xbf16, #tpu.memory_space<vmem>>, vector<100x64xbf16>
    %dot_general3A_31 = arith.constant dense<0.000000e+00> : vector<2048x64xf32>
    %dot_general3A_32 = tpu.matmul %convert_element_type3A_27, %get3A_30, %dot_general3A_31 {dimension_numbers = #tpu.dot_dimension_numbers<[1], [0], [0], [1], [0, 0, 1, 1], [], []>, transpose_lhs_hint = false} : vector<2048x100xbf16>, vector<100x64xbf16>, vector<2048x64xf32> -> vector<2048x64xf32>
    %get3A_33 = arith.constant 0 : index
    %get3A_34 = arith.constant 0 : index
    %get3A_35 = vector.load %arg4[%get3A_33, %get3A_34] : memref<100x64xbf16, #tpu.memory_space<vmem>>, vector<100x64xbf16>
    %dot_general3A_36 = arith.constant dense<0.000000e+00> : vector<2048x64xf32>
    %dot_general3A_37 = tpu.matmul %convert_element_type3A_27, %get3A_35, %dot_general3A_36 {dimension_numbers = #tpu.dot_dimension_numbers<[1], [0], [0], [1], [0, 0, 1, 1], [], []>, transpose_lhs_hint = false} : vector<2048x100xbf16>, vector<100x64xbf16>, vector<2048x64xf32> -> vector<2048x64xf32>
    %add3A = arith.addf %dot_general3A_32, %dot_general3A_37 : vector<2048x64xf32>
    %get3A_38 = arith.constant 0 : index
    %get3A_39 = arith.constant 0 : index
    %get3A_40 = vector.load %arg5[%get3A_38, %get3A_39] : memref<100x64xbf16, #tpu.memory_space<vmem>>, vector<100x64xbf16>
    %dot_general3A_41 = arith.constant dense<0.000000e+00> : vector<2048x64xf32>
    %dot_general3A_42 = tpu.matmul %convert_element_type3A_27, %get3A_40, %dot_general3A_41 {dimension_numbers = #tpu.dot_dimension_numbers<[1], [0], [0], [1], [0, 0, 1, 1], [], []>, transpose_lhs_hint = false} : vector<2048x100xbf16>, vector<100x64xbf16>, vector<2048x64xf32> -> vector<2048x64xf32>
    %add3A_43 = arith.addf %add3A, %dot_general3A_42 : vector<2048x64xf32>
    %swap3A_44 = arith.constant 0 : index
    %swap3A_45 = arith.constant 0 : index
    %swap3A_46 = vector.load %arg9[%swap3A_44, %swap3A_45] : memref<2048x64xf32, #tpu.memory_space<vmem>>, vector<2048x64xf32>
    tpu.vector_store %arg9[%swap3A_44, %swap3A_45], %add3A_43 {strides = array<i32>} : memref<2048x64xf32, #tpu.memory_space<vmem>>, vector<2048x64xf32>,
    return
  }
  func.func @transform_0(%arg0: i32) -> (i32, i32) {
    %c0_i32 = arith.constant 0 : i32
    %c0_i32_0 = arith.constant 0 : i32
    return %arg0, %c0_i32 : i32, i32
  }
  func.func @transform_1(%arg0: i32) -> (i32, i32) {
    %c0_i32 = arith.constant 0 : i32
    %c0_i32_0 = arith.constant 0 : i32
    %c0_i32_1 = arith.constant 0 : i32
    return %c0_i32, %c0_i32_0 : i32, i32
  }
  func.func @transform_2(%arg0: i32) -> (i32, i32) {
    %c0_i32 = arith.constant 0 : i32
    %c0_i32_0 = arith.constant 0 : i32
    %c0_i32_1 = arith.constant 0 : i32
    return %c0_i32, %c0_i32_0 : i32, i32
  }
  func.func @transform_3(%arg0: i32) -> (i32, i32) {
    %c0_i32 = arith.constant 0 : i32
    %c0_i32_0 = arith.constant 0 : i32
    %c0_i32_1 = arith.constant 0 : i32
    return %c0_i32, %c0_i32_0 : i32, i32
  }
  func.func @transform_4(%arg0: i32) -> (i32, i32) {
    %c0_i32 = arith.constant 0 : i32
    %c0_i32_0 = arith.constant 0 : i32
    %c0_i32_1 = arith.constant 0 : i32
    return %c0_i32, %c0_i32_0 : i32, i32
  }
  func.func @transform_5(%arg0: i32) -> (i32, i32) {
    %c0_i32 = arith.constant 0 : i32
    %c0_i32_0 = arith.constant 0 : i32
    return %arg0, %c0_i32 : i32, i32
  }
  func.func @transform_6(%arg0: i32) -> (i32, i32) {
    %c0_i32 = arith.constant 0 : i32
    %c0_i32_0 = arith.constant 0 : i32
    %c0_i32_1 = arith.constant 0 : i32
    return %c0_i32, %c0_i32_0 : i32, i32
  }
  func.func @transform_7(%arg0: i32) -> (i32, i32) {
    %c0_i32 = arith.constant 0 : i32
    %c0_i32_0 = arith.constant 0 : i32
    return %arg0, %c0_i32 : i32, i32
  }
  func.func @transform_8(%arg0: i32) -> (i32, i32) {
    %c0_i32 = arith.constant 0 : i32
    %c0_i32_0 = arith.constant 0 : i32
    return %arg0, %c0_i32 : i32, i32
  }
}

</mosaic_0001>

<sc_bundles>
// kernel: sparse-core-data-format-call.cloned.1.call-start
scs
called_computation_lowered:
.L_overlay_start_0:
0x0: {  	s2 =	sld [smem:$0x3FD9]  }
0x1: {  	s3 =	sld [smem:$0x3FFE];
	_ =	sdelay $0x1  }
0x2: {  	s1 =	srdreg.scid  }
0x3: {  	s0 =	sand.u32 $0x1, s1  }
0x4: {  	s15 =	sshll.u32 s0, $0xA;
	s2 =	sadd.s32 s3, s2  }
0x5: {  	s2 =	sadd.s32 s2, s15  }
0x6: {  	[smem:$0x3FC6] =	sst s2  }
0x7: {  	_ = 	snop  }
0x8: {  	s2 =	sld [smem:$0x3FD0];
	_ =	sdelay $0x2  }
0x9: {  	s16 =	simm.s32 $0xA;
	s4 =	simm.s32 $0x10  }
0xa: {  	[smem:s4], [sflag:s16] =	dma.local [hbm:s2], $0x1  }
0xb: {  	_ =	swait.eq [sflag:s16], $0x1  }
0xc: {  	[sflag:s16] =	ssyncset.done $0x0  }
0xd: {  	[sflag:s16] =	ssyncadd.s32 $0xFFFFFFFF  }
0xe: {  	s17 =	sld [smem:$0x10];
	(tm) =	ssettm $0x1  }
0xf: {  	s18 =	sld [smem:$0x3FFB];
	_ =	sdelay $0x3  }
0x10: {  	_ =	strace s18  }
0x11: {  	s3 =	sld [smem:$0x3FFC];
	_ =	sdelay $0x3  }
0x12: {  	_ =	strace s3  }
0x13: {  	s3 =	sld [smem:$0x3FFD];
	_ =	sdelay $0x3  }
0x14: {  	_ =	strace s3  }
0x15: {  	_ =	strace $0x8FFFFFFF  }
0x16: {  	s19 =	sld [smem:$0x3FDB];
	_ =	sdelay $0x1  }
0x17: {  	s20 =	simm.s32 $_scs_section_size  }
0x18: {  	s5 =	simm.s32 $_size__tile_overlayer_lowered;
	s6 =	simm.s32 $_tile_overlayer_lowered  }
0x19: {  	s23 =	simm.s32 $0x1BFF;
	s22 =	sshll.u32 s6, $0x1;
	s3 =	sadd.s32 s20, s19  }
0x1a: {  	s7 =	simm.s32 $0x0;
	s21 =	sshll.u32 s5, $0x1;
	s5 =	sadd.s32 s22, s3  }
0x1b: {  	[timem:s7], [sflag:s23] =	dma.local [hbm:s5], s21  }
0x1c: {  	_ =	swait.ge [sflag:s23], s21  }
0x1d: {  	s4 =	ssub.s32 $0x0, s21;
	[sflag:s23] =	ssyncset.done $0x0  }
0x1e: {  	[sflag:s23] =	ssyncadd.s32 s4;
	_ =	sdelay $0x1  }
0x1f: {  	s24 =	simm.s32 $0x1B8B  }
0x20: {  	_ =	swait.ge [sflag:s24], $0x1  }
0x21: {  	[sflag:s24] =	ssyncset.done $0x0  }
0x22: {  	s26 =	simm.s32 $0x1B8E;
	s25 =	sld [smem:$0x3FFE];
	[sflag:s24] =	ssyncadd.s32 $0xFFFFFFFF  }
0x23: {  	s27 =	simm.s32 $execute0_lowered;
	[smem:$0x3FD2] =	sst s26  }
0x24: {  	s5 =	sshll.u32 s27, $0x1;
	_ =	strace $0x80000046;
	[dreg:$0x1] =	wrdreg $0xFFFFFFFF  }
0x25: {  	s28 =	simm.s32 $_size_execute0_lowered;
	s3 =	sadd.s32 s3, s5;
	[dreg:$0x0] =	wrdreg $0x0  }
0x26: {  	s5 =	sshll.u32 s28, $0x1;
	[dreg:$0x2] =	wrdreg s3  }
0x27: {  	[dreg:$0x3] =	wrdreg s5  }
0x28: {  	[dreg:$0x4] =	wrdreg $0xC0  }
0x29: {  	_ =	task [dreg:s7], $0x5FFFF  }
0x2a: {  	[dreg:$0x1] =	wrdreg $0xFFFFFFFF  }
0x2b: {  	[dreg:$0x0] =	wrdreg $0x60  }
0x2c: {  	[dreg:$0x2] =	wrdreg s25  }
0x2d: {  	[dreg:$0x3] =	wrdreg s17  }
0x2e: {  	[dreg:$0x4] =	wrdreg $0x9  }
0x2f: {  	_ =	task.clear_ibuf [dreg:s7], $0x5FFFF;
	_ =	strace $0x90000046  }
0x30: {  	s29 =	simm.s32 $0x9;
	_ =	strace $0x80000048  }
0x31: {  	_ =	swait.ge [sflag:s29], $0x1  }
0x32: {  	[sflag:s29] =	ssyncadd.s32 $0xFFFFFFFF  }
0x33: {  	_ =	strace $0x90000048  }
0x34: {  	_ =	sfence  }
0x35: {  	s30 =	sld [smem:$0x0];
	_ =	sdelay $0x2  }
0x36: {  	s31 =	sshll.u32 s1, $0xD;
	s1 =	sshrl.u32 s1, $0x2  }
0x37: {  	s3 =	sand.u32 $0x4000, s31;
	s1 =	sadd.s32 s1, s30  }
0x38: {  	s0 =	sor.u32 s3, s0;
	s1 =	sshll.u32 s1, $0x11  }
0x39: {  	s0 =	sor.u32 s1, s0  }
0x3a: {  	s0 =	sadd.s32 $0x8F2B, s0  }
0x3b: {  	[sflag:s0] =	ssyncadd.remote.s32 $0x1  }
0x3c: {  	_ =	sfence.sel $0xFFFF  }
0x3d: {  	[dreg:$0x0] =	wrdreg $0xFFFFFFFF;
	(pc) =	sbr.abs _section_cstart, $3  }
0x3e: {  	[dreg:$0x1] =	wrdreg $0xFFFFFFFF  }
0x3f: {  	_ =	task.clear_ibuf [dreg:s7], $0x2FFFF;
	_ =	strace $0x9FFFFFFF  }
0x40: {  	(tm) =	ssettm $0x7FFFFFFF  }
0x41: {  	_ =	shalt  }
tec
execute0_lowered:
.L_overlay_start_1:
0x0: {  	(tag) =	ssettag $0x1  }
0x1: {  	s1 =	rddreg [dreg:$0x0]  }
0x2: {  	s2 =	rddreg [dreg:$0x1]  }
0x3: {  	s0 =	rddreg [dreg:$0x2];
	_ =	strace $0x80000047;
	s4 =	srdreg.scid  }
0x4: {  	s6 =	simm.s32 $0x2;
	s10 =	simm.s32 $0x0;
	p0 =	por $0x0, $0x0  }
.Ltmp0:
0x5: {  	s12 =	simm.s32 $0x0;
	s11 =	simm.s32 $0x0;
	(pc) =	sbr.rel .LBB1_1-.Ltmp0, $4  }
0x6: {  	s7 =	simm.s32 $0x0;
	s3 =	sadd.s32 $0x600000, s1;
	s5 =	sshll.u32 s4, $0x4  }
0x7: {  	s1 =	stileid.u32;
	s4 =	simm.s32 $0x1;
	s5 =	sand.u32 $0x10, s5  }
0x8: {  	s9 =	simm.s32 $0x0;
	[sflag:s4] =	ssyncpa.u1 $0x0;
	s5 =	sor.u32 s1, s5  }
0x9: {  	[sflag:s6] =	ssyncpa.u1 $0x0;
	s6 =	simm.s32 $0x0;
	s8 =	smov.u32 s5  }
.LBB1_5:
0xa: {  	s13 =	sadd.s32 $0x1, s7  }
0xb: {  	s10 =	sadd.s32 $0x20, s8;
	s14 =	smov.u32 s8;
	p2 =	sgt.s32 s13, $0x1F  }
0xc: {  	s14 =	smov.u32 @p2 s10  }
0xd: {  	s16 =	smov.u32 s9;
	s10 =	sadd.s32 $0x80, s9;
	p3 =	sgt.s32 s14, $0x1F  }
0xe: {  	p1 =	slt.u32 s6, $0x2;
	s16 =	smov.u32 @p3 s10  }
0xf: {  	s6 =	sadd.s32 $0x1, s6;
	s13 =	simm.s32 @p2 $0x0;
	p2 =	sgt.s32 s16, $0x7F  }
0x10: {  	s16 =	simm.s32 @p2 $0x0;
	p2 =	sne.s32 s6, $0x22  }
.Ltmp1:
0x11: {  	s15 =	simm.s32 @!p1 $0x2;
	(pc) =	sbr.rel @!p2 .LBB1_6-.Ltmp1, $4  }
0x12: {  	s12 =	smov.u32 s8;
	_ =	swait.ge @!p1 [sflag:s15], $0x2000  }
0x13: {  	s11 =	smov.u32 s9;
	p0 =	por !p0, !p0;
	[sflag:s15] =	ssyncset.done @!p1 $0x0  }
0x14: {  	s14 =	smov.u32 @p3 s5;
	s10 =	smov.u32 s7;
	[sflag:s15] =	ssyncadd.s32 @!p1 $0xFFFFE000  }
0x15: {  	s7 =	smov.u32 s13;
	s8 =	smov.u32 s14;
	s9 =	smov.u32 s16  }
.LBB1_1:
0x16: {  	p1 =	sgt.u32 s6, $0x1F  }
0x17: {  	s13 =	sxor.u32 @!p1 $0xFFFFFFFF, s6;
	s14 =	sshll.u32 @!p1 s9, $0xE;
	s15 =	sshll.u32 @!p1 s8, $0x9  }
0x18: {  	s16 =	sshll.u32 @!p1 s7, $0x4;
	s13 =	sshll.u32 @!p1 s13, $0xD;
	s14 =	sadd.s32 @!p1 s3, s14  }
0x19: {  	s16 =	sand.u32 @!p1 $0x1F0, s16;
	s13 =	sand.u32 @!p1 $0x2000, s13;
	s14 =	sadd.s32 @!p1 s15, s14  }
0x1a: {  	s15 =	simm.s32 @!p1 $0x40;
	s14 =	sadd.s32 @!p1 s16, s14;
	s16 =	simm.s32 @!p1 $0x20000  }
0x1b: {  	[tilespmem:s13], [sflag:$0x1] =	stream.strided.gather @!p1 [hbm4b:s14+s15], $0x2000, s16, s15, $0x38;
	[tilespmem:$0x8080] =	vst v63  }
0x1c: {  	p1 =	seq.s32 s6, $0x0  }
0x1d: {  	p2 =	seq.s32 @!p1 s6, $0x21  }
0x1e: {  	p1 =	por p1, p2  }
.Ltmp2:
0x1f: {  	_ = 	snop;
	(pc) =	sbr.rel @p1 .LBB1_5-.Ltmp2, $1  }
0x20: {  	_ =	sdelay $0x3  }
0x21: {  	s13 =	simm.s32 $0x1  }
0x22: {  	_ =	swait.ge [sflag:s4], $0x2000;
	s13 =	simm.s32 @!p0 $0x0  }
0x23: {  	[sflag:s4] =	ssyncset.done $0x0;
	s14 =	sshll.u32 s13, $0xD  }
0x24: {  	[sflag:s4] =	ssyncadd.s32 $0xFFFFE000;
	s17 =	sor.u32 $0x20, s14  }
0x25: {  	s13 =	smul.u32 $0x8100, s13;
	v3 =	vld [tilespmem:s17+$0x10]  }
0x26: {  	s30 =	sand.u32 $0x1, s6;
	v2 =	vld [tilespmem:s17+$0xFFFFFFF0]  }
0x27: {  	s14 =	smul.u32 $0x8100, s30;
	s13 =	sshrl.u32 s13, $0x2;
	v0 =	vld [tilespmem:s17+$0x0]  }
0x28: {  	v1 =	vld [tilespmem:s17+$0xFFFFFFE0];
	s15 =	sor.u32 $0x4000, s13  }
0x29: {  	s31 =	sshrl.u32 s14, $0x2;
	s14 =	sadd.s32 $0x0, s15  }
0x2a: {  	s16 =	simm.s32 $0x4;
	s17 =	sadd.s32 $0x40, s17;
	s13 =	sor.u32 $0x4000, s31;
	[tilespmem:s14+$0x1830 ss:$0x81] =	vst.msk $0xffff, v3  }
.LBB1_3:
0x2b: {  	v3 =	vld [tilespmem:s17+$0x10];
	p1 =	sne.s32 s16, $0x1FC;
	[tilespmem:s14+$0x810 ss:$0x81] =	vst.msk $0xffff, v2;
	s18 =	smov.u32 s16;
	s16 =	sadd.s32 $0x4, s16  }
.Ltmp3:
0x2c: {  	v2 =	vld [tilespmem:s17+$0xFFFFFFF0];
	[tilespmem:s14+$0x1020 ss:$0x81] =	vst.msk $0xffff, v0;
	(pc) =	sbr.rel @p1 .LBB1_3-.Ltmp3, $4  }
0x2d: {  	v0 =	vld [tilespmem:s17+$0x0];
	[tilespmem:s14+$0x0 ss:$0x81] =	vst.msk $0xffff, v1  }
0x2e: {  	s14 =	sshra.s32 s18, $0x2;
	v1 =	vld [tilespmem:s17+$0xFFFFFFE0]  }
0x2f: {  	s14 =	sadd.s32 s14, s15  }
0x30: {  	s17 =	sadd.s32 $0x40, s17;
	[tilespmem:s14+$0x1830 ss:$0x81] =	vst.msk $0xffff, v3  }
0x31: {  	s15 =	sand.u32 $0x380, s11;
	s12 =	sshll.u32 s12, $0xF  }
.Ltmp4:
0x32: {  	s16 =	sshrl.u32 s11, $0x3;
	s15 =	sadd.s32 s2, s15;
	(pc) =	sbr.rel .LBB1_5-.Ltmp4, $4  }
0x33: {  	[tilespmem:s14+$0x810 ss:$0x81] =	vst.msk $0xffff, v2;
	s16 =	sand.u32 $0xF, s16;
	s12 =	sadd.s32 s12, s15  }
0x34: {  	s10 =	sshll.u32 s10, $0xA;
	[tilespmem:s14+$0x1020 ss:$0x81] =	vst.msk $0xffff, v0;
	s12 =	sadd.s32 s16, s12  }
0x35: {  	s31 =	sand.u32 $0x7, s11;
	[tilespmem:s14+$0x0 ss:$0x81] =	vst.msk $0xffff, v1;
	s10 =	sadd.s32 s10, s12  }
0x36: {  	[hbm4b:s10+s31] =	stream.linear.scatter [tilespmem:s13], [sflag:$0x2], $0x2000, $0x20;
	[tilespmem:$0x8080] =	vst v63  }
.LBB1_6:
0x37: {  	_ =	sfence.sel $0x180000  }
0x38: {  	s2 =	simm.s32 $0x1;
	[bflag:$0x0] =	sbarrier.arrive $0xFFFF  }
0x39: {  	s31 =	simm.s32 $0x2;
	[sflag:s2] =	ssyncpa.u1 $0x1  }
0x3a: {  	[sflag:s31] =	ssyncpa.u1 $0x1  }
0x3b: {  	p0 =	sne.s32 s1, $0x0;
	_ =	strace $0x90000047  }
0x3c: {  	s0 =	sadd.s32 @!p0 $0x100000, s0;
	[bflag:$0x2] =	sbarrier.arrive $0xFFFF  }
0x3d: {  	[sflag:s0] =	ssyncadd.tile.s32 @!p0 $0x1;
	_ =	shalt  }
.Lfunc_end1:
_tile_overlayer_lowered:
.L_overlay_start_2:
0x3e: {  	(tag) =	ssettag $0x2  }
0x3f: {  	s0 =	rddreg [dreg:$0x0];
	s2 =	stileid.u32  }
0x40: {  	s1 =	rddreg [dreg:$0x1];
	p0 =	sne.s32 s2, $0x0  }
0x41: {  	s3 =	rddreg [dreg:$0x2];
	[bflag:$0x3] =	sbarrier.arrive $0xFFFF;
	s2 =	simm.s32 @!p0 $0x1C01  }
0x42: {  	[timem:s3], [sflag:s2] =	dma.local @!p0 [hbm:s0], s1  }
0x43: {  	s0 =	simm.s32 @!p0 $0x1  }
0x44: {  	_ =	swait.ge @!p0 [sflag:s0], s1  }
0x45: {  	s1 =	ssub.s32 @!p0 $0x0, s1;
	[sflag:s0] =	ssyncset.done @!p0 $0x0  }
0x46: {  	[sflag:s0] =	ssyncadd.s32 @!p0 s1  }
0x47: {  	[bflag:$0x3] =	sbarrier.arrive $0xFFFF  }
0x48: {  	_ =	shalt  }

</sc_bundles>
